<compile_context>
chip_gen: v7x
topology: tpu7x:2x2x1
jax: 0.10.2.dev20260603
libtpu: 0.0.44.dev20260713+nightly
codegen_flags: <defaults>
</compile_context>

<pallas_src>
import jax
import jax.numpy as jnp
from jax import lax
from jax.experimental import pallas as pl
from jax.experimental.pallas import tpu as pltpu
from jax.experimental.pallas import tpu_sc as plsc

B = 4
E = 16
C = 1024
K = E // 2
L = 16
NS = 2
NSTR = 4
BC = 128


def _sc_gate_kernel(x_hbm, out_hbm, rows_v, pmat_v, g_v):
    cid = lax.axis_index("c")
    sid = lax.axis_index("s")

    @pl.when((cid == 0) & (sid < B))
    def _():
        pltpu.sync_copy(x_hbm.at[sid], rows_v)

        def body(c, accs):
            return tuple(accs[e] + rows_v[pl.ds(e * C + c * L, L)]
                         for e in range(E))

        accs = lax.fori_loop(0, C // L, body,
                             tuple(jnp.zeros((L,), jnp.float32)
                                   for _ in range(E)))
        for e in range(E):
            pmat_v[pl.ds(e * L, L)] = accs[e]

        lane = lax.broadcasted_iota(jnp.int32, (L,), 0)
        base = lane * L
        route = jnp.zeros((L,), jnp.float32)
        for j in range(L):
            route = route + plsc.load_gather(pmat_v, [base + j])

        srt = plsc.sort_key_val(route, route, descending=True)
        if isinstance(srt, (tuple, list)):
            srt = srt[0]
        g_v[...] = jnp.where(lane < K, srt, 0.0)
        pltpu.sync_copy(g_v, out_hbm.at[sid])


def _sc_gate(x):
    mesh = plsc.VectorSubcoreMesh(core_axis_name="c", subcore_axis_name="s",
                                  num_cores=1)
    return pl.kernel(
        _sc_gate_kernel,
        out_type=jax.ShapeDtypeStruct((B, L), jnp.float32),
        mesh=mesh,
        compiler_params=pltpu.CompilerParams(needs_layout_passes=False),
        scratch_types=[
            pltpu.VMEM((E * C,), jnp.float32),
            pltpu.VMEM((E * L,), jnp.float32),
            pltpu.VMEM((L,), jnp.float32),
        ],
    )(x.reshape(B, E * C))


def _moe_kernel(x_ref, *refs):
    wv_refs = refs[:NSTR]
    wo_refs = refs[NSTR:2 * NSTR]
    out_ref = refs[2 * NSTR]
    i = pl.program_id(0)
    x0 = x_ref[:, 0, :]
    contrib = jnp.zeros((B, C), jnp.float32)
    for s in range(NSTR):
        v = jnp.dot(x0, wv_refs[s][0], preferred_element_type=jnp.float32)
        contrib += jnp.dot(v, wo_refs[s][0],
                           preferred_element_type=jnp.float32)

    @pl.when(i == 0)
    def _():
        out_ref[...] = contrib

    @pl.when(i > 0)
    def _():
        out_ref[...] += contrib


def _scale_kernel(o_ref, g_ref, out_ref):
    g = jnp.sum(g_ref[...], axis=-1, keepdims=True) * (1.0 / K)
    out_ref[...] = o_ref[...] * g


def kernel(x, q, Wq, Wk, Wv, Wo):
    g = _sc_gate(x)

    def wv_spec(s):
        return pl.BlockSpec((1, C, BC), lambda i, s=s: (0, 0, s * NS + i))

    def wo_spec(s):
        return pl.BlockSpec((1, BC, C), lambda i, s=s: (0, s * NS + i, 0))

    o = pl.pallas_call(
        _moe_kernel,
        grid=(NS,),
        in_specs=[pl.BlockSpec((B, E, C), lambda i: (0, 0, 0))]
        + [wv_spec(s) for s in range(NSTR)]
        + [wo_spec(s) for s in range(NSTR)],
        out_specs=pl.BlockSpec((B, C), lambda i: (0, 0)),
        out_shape=jax.ShapeDtypeStruct((B, C), jnp.float32),
    )(x, *([Wv] * NSTR), *([Wo] * NSTR))

    out = pl.pallas_call(
        _scale_kernel,
        out_shape=jax.ShapeDtypeStruct((B, C), jnp.float32),
    )(o, g)
    return out[:, None, :]

# --- scband reference (transcript-rebuilt; emitter-appended) ---
"""Pipeline reference for scband-mo-e-31507880084033 (READ-ONLY COPY).

The authoritative reference and input builder live on the scoring server;
editing this copy changes nothing except your own understanding.
"""

import jax, jax.numpy as jnp
import numpy as np

B = 4
E = 16
C = 1024
H = 8
NQ = 2048


def expert_attn(q, kv, Wq, Wk, Wv, Wo):
    # SCAttentionBlock stand-in: standard multi-head cross attention (q, k=kv, v=kv)
    b, nq, c = q.shape
    nk = kv.shape[1]
    dh = c // H
    scale = dh ** -0.5
    qh = (q @ Wq).reshape(b, nq, H, dh).transpose(0, 2, 1, 3)
    kh = (kv @ Wk).reshape(b, nk, H, dh).transpose(0, 2, 1, 3)
    vh = (kv @ Wv).reshape(b, nk, H, dh).transpose(0, 2, 1, 3)
    attn = jax.nn.softmax((qh @ kh.transpose(0, 1, 3, 2)) * scale, axis=-1)
    out = (attn @ vh).transpose(0, 2, 1, 3).reshape(b, nq, c)
    return out @ Wo


def setup_inputs(seed: int = 0) -> dict:
    key = jax.random.key(seed)
    ks = jax.random.split(key, 6)
    x = jax.random.normal(ks[0], (B, E, C), dtype=jnp.float32)
    q = jax.random.normal(ks[1], (B, NQ, C), dtype=jnp.float32)
    s = C ** -0.5
    Wq = jax.random.normal(ks[2], (E, C, C), dtype=jnp.float32) * s
    Wk = jax.random.normal(ks[3], (E, C, C), dtype=jnp.float32) * s
    Wv = jax.random.normal(ks[4], (E, C, C), dtype=jnp.float32) * s
    Wo = jax.random.normal(ks[5], (E, C, C), dtype=jnp.float32) * s
    return {"x": x, "q": q, "Wq": Wq, "Wk": Wk, "Wv": Wv, "Wo": Wo}


def reference(x, q, Wq, Wk, Wv, Wo):
    # MoE.forward_attnExpert: each expert attends q over its own single token x[:, i:i+1]
    outs = [expert_attn(q, x[:, e:e + 1, :], Wq[e], Wk[e], Wv[e], Wo[e]) for e in range(E)]
    expert_outputs = jnp.concatenate(outs, axis=1)  # [B, E*NQ, C]
    # Router.forward computes cross-attention but returns x unchanged -> gate_scores = x
    gate_scores = x  # [B, E, C]
    route_scores = gate_scores.mean(axis=-1)  # [B, E]
    n = x.shape[1]
    k = int(n * 0.5)
    _, topk_idx = jax.lax.top_k(route_scores, k)  # [B, k]
    idx_c = jnp.broadcast_to(topk_idx[:, :, None], (B, k, C))
    topk_expert_outputs = jnp.take_along_axis(expert_outputs, idx_c, axis=1)  # [B, k, C]
    topk_route_scores = jnp.take_along_axis(gate_scores, idx_c, axis=1)  # [B, k, C]
    # einsum('bkh,bkc->bkc') == sum_h scores[b,k,h] * out[b,k,c]
    weighted = topk_route_scores.sum(axis=-1, keepdims=True) * topk_expert_outputs
    outputs = weighted.mean(axis=1, keepdims=True)  # [B, 1, C]
    return outputs

if __name__ == "__main__":
    import jax
    _d = setup_inputs()
    print(jax.jit(kernel)(*tuple(_d.values())))

</pallas_src>

<mosaic_0001>
#map = affine_map<(d0, d1) -> (0, 0)>
module attributes {stable_mosaic.version = 14 : i64} {
  func.func @_sc_gate_kernel(%arg0: i32, %arg1: i32, %arg2: memref<4x16384xf32, #tpu.memory_space<hbm>>, %arg3: memref<4x16xf32, #tpu.memory_space<hbm>>, %arg4: memref<16384xf32, #tpu.memory_space<vmem>>, %arg5: memref<256xf32, #tpu.memory_space<vmem>>, %arg6: memref<16xf32, #tpu.memory_space<vmem>>) attributes {dimension_semantics = [#tpu.dimension_semantics<core_parallel>, #tpu.dimension_semantics<subcore_parallel>], iteration_bounds = array<i64: 1, 16>, scalar_prefetch = 0 : i64, scratch_operands = 3 : i64, tpu.core_type = #tpu.core_type<sc_vector_subcore>, window_params = [{transform_indices = #map}, {transform_indices = #map}]} {
    %eq3A = arith.constant 0 : i32
    %eq3A_0 = arith.cmpi eq, %arg0, %eq3A : i32
    %lt3A = arith.constant 4 : i32
    %lt3A_1 = arith.cmpi slt, %arg1, %lt3A : i32
    %and3A = arith.andi %eq3A_0, %lt3A_1 : i1
    %convert_element_type3A = arith.extui %and3A : i1 to i32
    %cond3A = arith.constant 0 : i32
    %cond3A_2 = arith.cmpi ne, %convert_element_type3A, %cond3A : i32
    scf.if %cond3A_2 {
      "tpu.region"() ({
        %run_scoped3A = tpu.sem_alloc : memref<!tpu.dma_semaphore, #tpu.memory_space<semaphore_mem>>
        %dma_start3A = arith.constant 0 : i32
        %dma_start3A_161 = tpu.memref_slice %arg2[%arg1, %dma_start3A] : memref<4x16384xf32, #tpu.memory_space<hbm>> -> memref<1x16384xf32, #tpu.memory_space<hbm>>
        %dma_start3A_162 = tpu.memref_squeeze %dma_start3A_161 : memref<1x16384xf32, #tpu.memory_space<hbm>> -> memref<16384xf32, #tpu.memory_space<hbm>>
        %dma_start3A_163 = arith.constant 0 : i32
        %dma_start3A_164 = tpu.memref_slice %arg2[%arg1, %dma_start3A_163] : memref<4x16384xf32, #tpu.memory_space<hbm>> -> memref<1x16384xf32, #tpu.memory_space<hbm>>
        %dma_start3A_165 = tpu.memref_squeeze %dma_start3A_164 : memref<1x16384xf32, #tpu.memory_space<hbm>> -> memref<16384xf32, #tpu.memory_space<hbm>>
        tpu.enqueue_dma source(%dma_start3A_165 : memref<16384xf32, #tpu.memory_space<hbm>>) target(%arg4 : memref<16384xf32, #tpu.memory_space<vmem>>) target_semaphore(%run_scoped3A : memref<!tpu.dma_semaphore, #tpu.memory_space<semaphore_mem>>)
        %dma_wait3A = arith.constant 0 : i32
        %dma_wait3A_166 = tpu.memref_slice %arg2[%arg1, %dma_wait3A] : memref<4x16384xf32, #tpu.memory_space<hbm>> -> memref<1x16384xf32, #tpu.memory_space<hbm>>
        %dma_wait3A_167 = tpu.memref_squeeze %dma_wait3A_166 : memref<1x16384xf32, #tpu.memory_space<hbm>> -> memref<16384xf32, #tpu.memory_space<hbm>>
        %dma_wait3A_168 = arith.constant 0 : i32
        %dma_wait3A_169 = tpu.memref_slice %arg2[%arg1, %dma_wait3A_168] : memref<4x16384xf32, #tpu.memory_space<hbm>> -> memref<1x16384xf32, #tpu.memory_space<hbm>>
        %dma_wait3A_170 = tpu.memref_squeeze %dma_wait3A_169 : memref<1x16384xf32, #tpu.memory_space<hbm>> -> memref<16384xf32, #tpu.memory_space<hbm>>
        tpu.wait_dma2 semaphore(%run_scoped3A : memref<!tpu.dma_semaphore, #tpu.memory_space<semaphore_mem>>) src(%dma_wait3A_170 : memref<16384xf32, #tpu.memory_space<hbm>>) dst(%arg4 : memref<16384xf32, #tpu.memory_space<vmem>>)
        tpu.yield
      }) : () -> ()
      %broadcast_in_dim3A = arith.constant 0.000000e+00 : f32
      %broadcast_in_dim3A_3 = vector.broadcast %broadcast_in_dim3A : f32 to vector<16xf32>
      %broadcast_in_dim3A_4 = arith.constant 0.000000e+00 : f32
      %broadcast_in_dim3A_5 = vector.broadcast %broadcast_in_dim3A_4 : f32 to vector<16xf32>
      %broadcast_in_dim3A_6 = arith.constant 0.000000e+00 : f32
      %broadcast_in_dim3A_7 = vector.broadcast %broadcast_in_dim3A_6 : f32 to vector<16xf32>
      %broadcast_in_dim3A_8 = arith.constant 0.000000e+00 : f32
      %broadcast_in_dim3A_9 = vector.broadcast %broadcast_in_dim3A_8 : f32 to vector<16xf32>
      %broadcast_in_dim3A_10 = arith.constant 0.000000e+00 : f32
      %broadcast_in_dim3A_11 = vector.broadcast %broadcast_in_dim3A_10 : f32 to vector<16xf32>
      %broadcast_in_dim3A_12 = arith.constant 0.000000e+00 : f32
      %broadcast_in_dim3A_13 = vector.broadcast %broadcast_in_dim3A_12 : f32 to vector<16xf32>
      %broadcast_in_dim3A_14 = arith.constant 0.000000e+00 : f32
      %broadcast_in_dim3A_15 = vector.broadcast %broadcast_in_dim3A_14 : f32 to vector<16xf32>
      %broadcast_in_dim3A_16 = arith.constant 0.000000e+00 : f32
      %broadcast_in_dim3A_17 = vector.broadcast %broadcast_in_dim3A_16 : f32 to vector<16xf32>
      %broadcast_in_dim3A_18 = arith.constant 0.000000e+00 : f32
      %broadcast_in_dim3A_19 = vector.broadcast %broadcast_in_dim3A_18 : f32 to vector<16xf32>
      %broadcast_in_dim3A_20 = arith.constant 0.000000e+00 : f32
      %broadcast_in_dim3A_21 = vector.broadcast %broadcast_in_dim3A_20 : f32 to vector<16xf32>
      %broadcast_in_dim3A_22 = arith.constant 0.000000e+00 : f32
      %broadcast_in_dim3A_23 = vector.broadcast %broadcast_in_dim3A_22 : f32 to vector<16xf32>
      %broadcast_in_dim3A_24 = arith.constant 0.000000e+00 : f32
      %broadcast_in_dim3A_25 = vector.broadcast %broadcast_in_dim3A_24 : f32 to vector<16xf32>
      %broadcast_in_dim3A_26 = arith.constant 0.000000e+00 : f32
      %broadcast_in_dim3A_27 = vector.broadcast %broadcast_in_dim3A_26 : f32 to vector<16xf32>
      %broadcast_in_dim3A_28 = arith.constant 0.000000e+00 : f32
      %broadcast_in_dim3A_29 = vector.broadcast %broadcast_in_dim3A_28 : f32 to vector<16xf32>
      %broadcast_in_dim3A_30 = arith.constant 0.000000e+00 : f32
      %broadcast_in_dim3A_31 = vector.broadcast %broadcast_in_dim3A_30 : f32 to vector<16xf32>
      %broadcast_in_dim3A_32 = arith.constant 0.000000e+00 : f32
      %broadcast_in_dim3A_33 = vector.broadcast %broadcast_in_dim3A_32 : f32 to vector<16xf32>
      %scan3A = arith.constant 0 : i32
      %scan3A_34 = arith.constant 64 : i32
      %scan3A_35 = arith.addi %scan3A, %scan3A_34 : i32
      %scan3A_36 = arith.constant 1 : i32
      %scan3A_37:16 = scf.for %scan3A_161 = %scan3A to %scan3A_35 step %scan3A_36 iter_args(%scan3A_162 = %broadcast_in_dim3A_3, %scan3A_163 = %broadcast_in_dim3A_5, %scan3A_164 = %broadcast_in_dim3A_7, %scan3A_165 = %broadcast_in_dim3A_9, %scan3A_166 = %broadcast_in_dim3A_11, %scan3A_167 = %broadcast_in_dim3A_13, %scan3A_168 = %broadcast_in_dim3A_15, %scan3A_169 = %broadcast_in_dim3A_17, %scan3A_170 = %broadcast_in_dim3A_19, %scan3A_171 = %broadcast_in_dim3A_21, %scan3A_172 = %broadcast_in_dim3A_23, %scan3A_173 = %broadcast_in_dim3A_25, %scan3A_174 = %broadcast_in_dim3A_27, %scan3A_175 = %broadcast_in_dim3A_29, %scan3A_176 = %broadcast_in_dim3A_31, %scan3A_177 = %broadcast_in_dim3A_33) -> (vector<16xf32>, vector<16xf32>, vector<16xf32>, vector<16xf32>, vector<16xf32>, vector<16xf32>, vector<16xf32>, vector<16xf32>, vector<16xf32>, vector<16xf32>, vector<16xf32>, vector<16xf32>, vector<16xf32>, vector<16xf32>, vector<16xf32>, vector<16xf32>)  : i32 {
        %mul3A_178 = arith.constant 16 : i32
        %mul3A_179 = arith.muli %scan3A_161, %mul3A_178 : i32
        %add3A_180 = arith.constant 0 : i32
        %add3A_181 = arith.addi %add3A_180, %mul3A_179 : i32
        %get3A = arith.index_cast %add3A_181 : i32 to index
        %get3A_182 = tpu.vector_load %arg4[%get3A] {strides = array<i32>} : memref<16384xf32, #tpu.memory_space<vmem>>, vector<16xf32>,
        %add3A_183 = arith.addf %scan3A_162, %get3A_182 : vector<16xf32>
        %mul3A_184 = arith.constant 16 : i32
        %mul3A_185 = arith.muli %scan3A_161, %mul3A_184 : i32
        %add3A_186 = arith.constant 1024 : i32
        %add3A_187 = arith.addi %add3A_186, %mul3A_185 : i32
        %get3A_188 = arith.index_cast %add3A_187 : i32 to index
        %get3A_189 = tpu.vector_load %arg4[%get3A_188] {strides = array<i32>} : memref<16384xf32, #tpu.memory_space<vmem>>, vector<16xf32>,
        %add3A_190 = arith.addf %scan3A_163, %get3A_189 : vector<16xf32>
        %mul3A_191 = arith.constant 16 : i32
        %mul3A_192 = arith.muli %scan3A_161, %mul3A_191 : i32
        %add3A_193 = arith.constant 2048 : i32
        %add3A_194 = arith.addi %add3A_193, %mul3A_192 : i32
        %get3A_195 = arith.index_cast %add3A_194 : i32 to index
        %get3A_196 = tpu.vector_load %arg4[%get3A_195] {strides = array<i32>} : memref<16384xf32, #tpu.memory_space<vmem>>, vector<16xf32>,
        %add3A_197 = arith.addf %scan3A_164, %get3A_196 : vector<16xf32>
        %mul3A_198 = arith.constant 16 : i32
        %mul3A_199 = arith.muli %scan3A_161, %mul3A_198 : i32
        %add3A_200 = arith.constant 3072 : i32
        %add3A_201 = arith.addi %add3A_200, %mul3A_199 : i32
        %get3A_202 = arith.index_cast %add3A_201 : i32 to index
        %get3A_203 = tpu.vector_load %arg4[%get3A_202] {strides = array<i32>} : memref<16384xf32, #tpu.memory_space<vmem>>, vector<16xf32>,
        %add3A_204 = arith.addf %scan3A_165, %get3A_203 : vector<16xf32>
        %mul3A_205 = arith.constant 16 : i32
        %mul3A_206 = arith.muli %scan3A_161, %mul3A_205 : i32
        %add3A_207 = arith.constant 4096 : i32
        %add3A_208 = arith.addi %add3A_207, %mul3A_206 : i32
        %get3A_209 = arith.index_cast %add3A_208 : i32 to index
        %get3A_210 = tpu.vector_load %arg4[%get3A_209] {strides = array<i32>} : memref<16384xf32, #tpu.memory_space<vmem>>, vector<16xf32>,
        %add3A_211 = arith.addf %scan3A_166, %get3A_210 : vector<16xf32>
        %mul3A_212 = arith.constant 16 : i32
        %mul3A_213 = arith.muli %scan3A_161, %mul3A_212 : i32
        %add3A_214 = arith.constant 5120 : i32
        %add3A_215 = arith.addi %add3A_214, %mul3A_213 : i32
        %get3A_216 = arith.index_cast %add3A_215 : i32 to index
        %get3A_217 = tpu.vector_load %arg4[%get3A_216] {strides = array<i32>} : memref<16384xf32, #tpu.memory_space<vmem>>, vector<16xf32>,
        %add3A_218 = arith.addf %scan3A_167, %get3A_217 : vector<16xf32>
        %mul3A_219 = arith.constant 16 : i32
        %mul3A_220 = arith.muli %scan3A_161, %mul3A_219 : i32
        %add3A_221 = arith.constant 6144 : i32
        %add3A_222 = arith.addi %add3A_221, %mul3A_220 : i32
        %get3A_223 = arith.index_cast %add3A_222 : i32 to index
        %get3A_224 = tpu.vector_load %arg4[%get3A_223] {strides = array<i32>} : memref<16384xf32, #tpu.memory_space<vmem>>, vector<16xf32>,
        %add3A_225 = arith.addf %scan3A_168, %get3A_224 : vector<16xf32>
        %mul3A_226 = arith.constant 16 : i32
        %mul3A_227 = arith.muli %scan3A_161, %mul3A_226 : i32
        %add3A_228 = arith.constant 7168 : i32
        %add3A_229 = arith.addi %add3A_228, %mul3A_227 : i32
        %get3A_230 = arith.index_cast %add3A_229 : i32 to index
        %get3A_231 = tpu.vector_load %arg4[%get3A_230] {strides = array<i32>} : memref<16384xf32, #tpu.memory_space<vmem>>, vector<16xf32>,
        %add3A_232 = arith.addf %scan3A_169, %get3A_231 : vector<16xf32>
        %mul3A_233 = arith.constant 16 : i32
        %mul3A_234 = arith.muli %scan3A_161, %mul3A_233 : i32
        %add3A_235 = arith.constant 8192 : i32
        %add3A_236 = arith.addi %add3A_235, %mul3A_234 : i32
        %get3A_237 = arith.index_cast %add3A_236 : i32 to index
        %get3A_238 = tpu.vector_load %arg4[%get3A_237] {strides = array<i32>} : memref<16384xf32, #tpu.memory_space<vmem>>, vector<16xf32>,
        %add3A_239 = arith.addf %scan3A_170, %get3A_238 : vector<16xf32>
        %mul3A_240 = arith.constant 16 : i32
        %mul3A_241 = arith.muli %scan3A_161, %mul3A_240 : i32
        %add3A_242 = arith.constant 9216 : i32
        %add3A_243 = arith.addi %add3A_242, %mul3A_241 : i32
        %get3A_244 = arith.index_cast %add3A_243 : i32 to index
        %get3A_245 = tpu.vector_load %arg4[%get3A_244] {strides = array<i32>} : memref<16384xf32, #tpu.memory_space<vmem>>, vector<16xf32>,
        %add3A_246 = arith.addf %scan3A_171, %get3A_245 : vector<16xf32>
        %mul3A_247 = arith.constant 16 : i32
        %mul3A_248 = arith.muli %scan3A_161, %mul3A_247 : i32
        %add3A_249 = arith.constant 10240 : i32
        %add3A_250 = arith.addi %add3A_249, %mul3A_248 : i32
        %get3A_251 = arith.index_cast %add3A_250 : i32 to index
        %get3A_252 = tpu.vector_load %arg4[%get3A_251] {strides = array<i32>} : memref<16384xf32, #tpu.memory_space<vmem>>, vector<16xf32>,
        %add3A_253 = arith.addf %scan3A_172, %get3A_252 : vector<16xf32>
        %mul3A_254 = arith.constant 16 : i32
        %mul3A_255 = arith.muli %scan3A_161, %mul3A_254 : i32
        %add3A_256 = arith.constant 11264 : i32
        %add3A_257 = arith.addi %add3A_256, %mul3A_255 : i32
        %get3A_258 = arith.index_cast %add3A_257 : i32 to index
        %get3A_259 = tpu.vector_load %arg4[%get3A_258] {strides = array<i32>} : memref<16384xf32, #tpu.memory_space<vmem>>, vector<16xf32>,
        %add3A_260 = arith.addf %scan3A_173, %get3A_259 : vector<16xf32>
        %mul3A_261 = arith.constant 16 : i32
        %mul3A_262 = arith.muli %scan3A_161, %mul3A_261 : i32
        %add3A_263 = arith.constant 12288 : i32
        %add3A_264 = arith.addi %add3A_263, %mul3A_262 : i32
        %get3A_265 = arith.index_cast %add3A_264 : i32 to index
        %get3A_266 = tpu.vector_load %arg4[%get3A_265] {strides = array<i32>} : memref<16384xf32, #tpu.memory_space<vmem>>, vector<16xf32>,
        %add3A_267 = arith.addf %scan3A_174, %get3A_266 : vector<16xf32>
        %mul3A_268 = arith.constant 16 : i32
        %mul3A_269 = arith.muli %scan3A_161, %mul3A_268 : i32
        %add3A_270 = arith.constant 13312 : i32
        %add3A_271 = arith.addi %add3A_270, %mul3A_269 : i32
        %get3A_272 = arith.index_cast %add3A_271 : i32 to index
        %get3A_273 = tpu.vector_load %arg4[%get3A_272] {strides = array<i32>} : memref<16384xf32, #tpu.memory_space<vmem>>, vector<16xf32>,
        %add3A_274 = arith.addf %scan3A_175, %get3A_273 : vector<16xf32>
        %mul3A_275 = arith.constant 16 : i32
        %mul3A_276 = arith.muli %scan3A_161, %mul3A_275 : i32
        %add3A_277 = arith.constant 14336 : i32
        %add3A_278 = arith.addi %add3A_277, %mul3A_276 : i32
        %get3A_279 = arith.index_cast %add3A_278 : i32 to index
        %get3A_280 = tpu.vector_load %arg4[%get3A_279] {strides = array<i32>} : memref<16384xf32, #tpu.memory_space<vmem>>, vector<16xf32>,
        %add3A_281 = arith.addf %scan3A_176, %get3A_280 : vector<16xf32>
        %mul3A_282 = arith.constant 16 : i32
        %mul3A_283 = arith.muli %scan3A_161, %mul3A_282 : i32
        %add3A_284 = arith.constant 15360 : i32
        %add3A_285 = arith.addi %add3A_284, %mul3A_283 : i32
        %get3A_286 = arith.index_cast %add3A_285 : i32 to index
        %get3A_287 = tpu.vector_load %arg4[%get3A_286] {strides = array<i32>} : memref<16384xf32, #tpu.memory_space<vmem>>, vector<16xf32>,
        %add3A_288 = arith.addf %scan3A_177, %get3A_287 : vector<16xf32>
        scf.yield %add3A_183, %add3A_190, %add3A_197, %add3A_204, %add3A_211, %add3A_218, %add3A_225, %add3A_232, %add3A_239, %add3A_246, %add3A_253, %add3A_260, %add3A_267, %add3A_274, %add3A_281, %add3A_288 : vector<16xf32>, vector<16xf32>, vector<16xf32>, vector<16xf32>, vector<16xf32>, vector<16xf32>, vector<16xf32>, vector<16xf32>, vector<16xf32>, vector<16xf32>, vector<16xf32>, vector<16xf32>, vector<16xf32>, vector<16xf32>, vector<16xf32>, vector<16xf32>
      }
      %scan3A_38 = arith.constant 64 : i32
      %swap3A = arith.constant 0 : index
      %swap3A_39 = tpu.vector_load %arg5[%swap3A] {strides = array<i32>} : memref<256xf32, #tpu.memory_space<vmem>>, vector<16xf32>,
      tpu.vector_store %arg5[%swap3A], %scan3A_37#0 {strides = array<i32>} : memref<256xf32, #tpu.memory_space<vmem>>, vector<16xf32>,
      %swap3A_40 = arith.constant 16 : index
      %swap3A_41 = tpu.vector_load %arg5[%swap3A_40] {strides = array<i32>} : memref<256xf32, #tpu.memory_space<vmem>>, vector<16xf32>,
      tpu.vector_store %arg5[%swap3A_40], %scan3A_37#1 {strides = array<i32>} : memref<256xf32, #tpu.memory_space<vmem>>, vector<16xf32>,
      %swap3A_42 = arith.constant 32 : index
      %swap3A_43 = tpu.vector_load %arg5[%swap3A_42] {strides = array<i32>} : memref<256xf32, #tpu.memory_space<vmem>>, vector<16xf32>,
      tpu.vector_store %arg5[%swap3A_42], %scan3A_37#2 {strides = array<i32>} : memref<256xf32, #tpu.memory_space<vmem>>, vector<16xf32>,
      %swap3A_44 = arith.constant 48 : index
      %swap3A_45 = tpu.vector_load %arg5[%swap3A_44] {strides = array<i32>} : memref<256xf32, #tpu.memory_space<vmem>>, vector<16xf32>,
      tpu.vector_store %arg5[%swap3A_44], %scan3A_37#3 {strides = array<i32>} : memref<256xf32, #tpu.memory_space<vmem>>, vector<16xf32>,
      %swap3A_46 = arith.constant 64 : index
      %swap3A_47 = tpu.vector_load %arg5[%swap3A_46] {strides = array<i32>} : memref<256xf32, #tpu.memory_space<vmem>>, vector<16xf32>,
      tpu.vector_store %arg5[%swap3A_46], %scan3A_37#4 {strides = array<i32>} : memref<256xf32, #tpu.memory_space<vmem>>, vector<16xf32>,
      %swap3A_48 = arith.constant 80 : index
      %swap3A_49 = tpu.vector_load %arg5[%swap3A_48] {strides = array<i32>} : memref<256xf32, #tpu.memory_space<vmem>>, vector<16xf32>,
      tpu.vector_store %arg5[%swap3A_48], %scan3A_37#5 {strides = array<i32>} : memref<256xf32, #tpu.memory_space<vmem>>, vector<16xf32>,
      %swap3A_50 = arith.constant 96 : index
      %swap3A_51 = tpu.vector_load %arg5[%swap3A_50] {strides = array<i32>} : memref<256xf32, #tpu.memory_space<vmem>>, vector<16xf32>,
      tpu.vector_store %arg5[%swap3A_50], %scan3A_37#6 {strides = array<i32>} : memref<256xf32, #tpu.memory_space<vmem>>, vector<16xf32>,
      %swap3A_52 = arith.constant 112 : index
      %swap3A_53 = tpu.vector_load %arg5[%swap3A_52] {strides = array<i32>} : memref<256xf32, #tpu.memory_space<vmem>>, vector<16xf32>,
      tpu.vector_store %arg5[%swap3A_52], %scan3A_37#7 {strides = array<i32>} : memref<256xf32, #tpu.memory_space<vmem>>, vector<16xf32>,
      %swap3A_54 = arith.constant 128 : index
      %swap3A_55 = tpu.vector_load %arg5[%swap3A_54] {strides = array<i32>} : memref<256xf32, #tpu.memory_space<vmem>>, vector<16xf32>,
      tpu.vector_store %arg5[%swap3A_54], %scan3A_37#8 {strides = array<i32>} : memref<256xf32, #tpu.memory_space<vmem>>, vector<16xf32>,
      %swap3A_56 = arith.constant 144 : index
      %swap3A_57 = tpu.vector_load %arg5[%swap3A_56] {strides = array<i32>} : memref<256xf32, #tpu.memory_space<vmem>>, vector<16xf32>,
      tpu.vector_store %arg5[%swap3A_56], %scan3A_37#9 {strides = array<i32>} : memref<256xf32, #tpu.memory_space<vmem>>, vector<16xf32>,
      %swap3A_58 = arith.constant 160 : index
      %swap3A_59 = tpu.vector_load %arg5[%swap3A_58] {strides = array<i32>} : memref<256xf32, #tpu.memory_space<vmem>>, vector<16xf32>,
      tpu.vector_store %arg5[%swap3A_58], %scan3A_37#10 {strides = array<i32>} : memref<256xf32, #tpu.memory_space<vmem>>, vector<16xf32>,
      %swap3A_60 = arith.constant 176 : index
      %swap3A_61 = tpu.vector_load %arg5[%swap3A_60] {strides = array<i32>} : memref<256xf32, #tpu.memory_space<vmem>>, vector<16xf32>,
      tpu.vector_store %arg5[%swap3A_60], %scan3A_37#11 {strides = array<i32>} : memref<256xf32, #tpu.memory_space<vmem>>, vector<16xf32>,
      %swap3A_62 = arith.constant 192 : index
      %swap3A_63 = tpu.vector_load %arg5[%swap3A_62] {strides = array<i32>} : memref<256xf32, #tpu.memory_space<vmem>>, vector<16xf32>,
      tpu.vector_store %arg5[%swap3A_62], %scan3A_37#12 {strides = array<i32>} : memref<256xf32, #tpu.memory_space<vmem>>, vector<16xf32>,
      %swap3A_64 = arith.constant 208 : index
      %swap3A_65 = tpu.vector_load %arg5[%swap3A_64] {strides = array<i32>} : memref<256xf32, #tpu.memory_space<vmem>>, vector<16xf32>,
      tpu.vector_store %arg5[%swap3A_64], %scan3A_37#13 {strides = array<i32>} : memref<256xf32, #tpu.memory_space<vmem>>, vector<16xf32>,
      %swap3A_66 = arith.constant 224 : index
      %swap3A_67 = tpu.vector_load %arg5[%swap3A_66] {strides = array<i32>} : memref<256xf32, #tpu.memory_space<vmem>>, vector<16xf32>,
      tpu.vector_store %arg5[%swap3A_66], %scan3A_37#14 {strides = array<i32>} : memref<256xf32, #tpu.memory_space<vmem>>, vector<16xf32>,
      %swap3A_68 = arith.constant 240 : index
      %swap3A_69 = tpu.vector_load %arg5[%swap3A_68] {strides = array<i32>} : memref<256xf32, #tpu.memory_space<vmem>>, vector<16xf32>,
      tpu.vector_store %arg5[%swap3A_68], %scan3A_37#15 {strides = array<i32>} : memref<256xf32, #tpu.memory_space<vmem>>, vector<16xf32>,
      %iota3A = tpu.iota {dimensions = array<i32: 0>} : vector<16xi32>
      %mul3A = arith.constant 16 : i32
      %mul3A_70 = vector.broadcast %mul3A : i32 to vector<16xi32>
      %mul3A_71 = arith.muli %iota3A, %mul3A_70 : vector<16xi32>
      %broadcast_in_dim3A_72 = arith.constant 0.000000e+00 : f32
      %broadcast_in_dim3A_73 = vector.broadcast %broadcast_in_dim3A_72 : f32 to vector<16xf32>
      %add3A = arith.constant 0 : i32
      %add3A_74 = vector.broadcast %add3A : i32 to vector<16xi32>
      %add3A_75 = arith.addi %mul3A_71, %add3A_74 : vector<16xi32>
      %gather3A = tpu.vector_load_idx %arg5[%add3A_75] : memref<256xf32, #tpu.memory_space<vmem>>[vector<16xi32>], vector<16xf32>,
      %add3A_76 = arith.addf %broadcast_in_dim3A_73, %gather3A : vector<16xf32>
      %add3A_77 = arith.constant 1 : i32
      %add3A_78 = vector.broadcast %add3A_77 : i32 to vector<16xi32>
      %add3A_79 = arith.addi %mul3A_71, %add3A_78 : vector<16xi32>
      %gather3A_80 = tpu.vector_load_idx %arg5[%add3A_79] : memref<256xf32, #tpu.memory_space<vmem>>[vector<16xi32>], vector<16xf32>,
      %add3A_81 = arith.addf %add3A_76, %gather3A_80 : vector<16xf32>
      %add3A_82 = arith.constant 2 : i32
      %add3A_83 = vector.broadcast %add3A_82 : i32 to vector<16xi32>
      %add3A_84 = arith.addi %mul3A_71, %add3A_83 : vector<16xi32>
      %gather3A_85 = tpu.vector_load_idx %arg5[%add3A_84] : memref<256xf32, #tpu.memory_space<vmem>>[vector<16xi32>], vector<16xf32>,
      %add3A_86 = arith.addf %add3A_81, %gather3A_85 : vector<16xf32>
      %add3A_87 = arith.constant 3 : i32
      %add3A_88 = vector.broadcast %add3A_87 : i32 to vector<16xi32>
      %add3A_89 = arith.addi %mul3A_71, %add3A_88 : vector<16xi32>
      %gather3A_90 = tpu.vector_load_idx %arg5[%add3A_89] : memref<256xf32, #tpu.memory_space<vmem>>[vector<16xi32>], vector<16xf32>,
      %add3A_91 = arith.addf %add3A_86, %gather3A_90 : vector<16xf32>
      %add3A_92 = arith.constant 4 : i32
      %add3A_93 = vector.broadcast %add3A_92 : i32 to vector<16xi32>
      %add3A_94 = arith.addi %mul3A_71, %add3A_93 : vector<16xi32>
      %gather3A_95 = tpu.vector_load_idx %arg5[%add3A_94] : memref<256xf32, #tpu.memory_space<vmem>>[vector<16xi32>], vector<16xf32>,
      %add3A_96 = arith.addf %add3A_91, %gather3A_95 : vector<16xf32>
      %add3A_97 = arith.constant 5 : i32
      %add3A_98 = vector.broadcast %add3A_97 : i32 to vector<16xi32>
      %add3A_99 = arith.addi %mul3A_71, %add3A_98 : vector<16xi32>
      %gather3A_100 = tpu.vector_load_idx %arg5[%add3A_99] : memref<256xf32, #tpu.memory_space<vmem>>[vector<16xi32>], vector<16xf32>,
      %add3A_101 = arith.addf %add3A_96, %gather3A_100 : vector<16xf32>
      %add3A_102 = arith.constant 6 : i32
      %add3A_103 = vector.broadcast %add3A_102 : i32 to vector<16xi32>
      %add3A_104 = arith.addi %mul3A_71, %add3A_103 : vector<16xi32>
      %gather3A_105 = tpu.vector_load_idx %arg5[%add3A_104] : memref<256xf32, #tpu.memory_space<vmem>>[vector<16xi32>], vector<16xf32>,
      %add3A_106 = arith.addf %add3A_101, %gather3A_105 : vector<16xf32>
      %add3A_107 = arith.constant 7 : i32
      %add3A_108 = vector.broadcast %add3A_107 : i32 to vector<16xi32>
      %add3A_109 = arith.addi %mul3A_71, %add3A_108 : vector<16xi32>
      %gather3A_110 = tpu.vector_load_idx %arg5[%add3A_109] : memref<256xf32, #tpu.memory_space<vmem>>[vector<16xi32>], vector<16xf32>,
      %add3A_111 = arith.addf %add3A_106, %gather3A_110 : vector<16xf32>
      %add3A_112 = arith.constant 8 : i32
      %add3A_113 = vector.broadcast %add3A_112 : i32 to vector<16xi32>
      %add3A_114 = arith.addi %mul3A_71, %add3A_113 : vector<16xi32>
      %gather3A_115 = tpu.vector_load_idx %arg5[%add3A_114] : memref<256xf32, #tpu.memory_space<vmem>>[vector<16xi32>], vector<16xf32>,
      %add3A_116 = arith.addf %add3A_111, %gather3A_115 : vector<16xf32>
      %add3A_117 = arith.constant 9 : i32
      %add3A_118 = vector.broadcast %add3A_117 : i32 to vector<16xi32>
      %add3A_119 = arith.addi %mul3A_71, %add3A_118 : vector<16xi32>
      %gather3A_120 = tpu.vector_load_idx %arg5[%add3A_119] : memref<256xf32, #tpu.memory_space<vmem>>[vector<16xi32>], vector<16xf32>,
      %add3A_121 = arith.addf %add3A_116, %gather3A_120 : vector<16xf32>
      %add3A_122 = arith.constant 10 : i32
      %add3A_123 = vector.broadcast %add3A_122 : i32 to vector<16xi32>
      %add3A_124 = arith.addi %mul3A_71, %add3A_123 : vector<16xi32>
      %gather3A_125 = tpu.vector_load_idx %arg5[%add3A_124] : memref<256xf32, #tpu.memory_space<vmem>>[vector<16xi32>], vector<16xf32>,
      %add3A_126 = arith.addf %add3A_121, %gather3A_125 : vector<16xf32>
      %add3A_127 = arith.constant 11 : i32
      %add3A_128 = vector.broadcast %add3A_127 : i32 to vector<16xi32>
      %add3A_129 = arith.addi %mul3A_71, %add3A_128 : vector<16xi32>
      %gather3A_130 = tpu.vector_load_idx %arg5[%add3A_129] : memref<256xf32, #tpu.memory_space<vmem>>[vector<16xi32>], vector<16xf32>,
      %add3A_131 = arith.addf %add3A_126, %gather3A_130 : vector<16xf32>
      %add3A_132 = arith.constant 12 : i32
      %add3A_133 = vector.broadcast %add3A_132 : i32 to vector<16xi32>
      %add3A_134 = arith.addi %mul3A_71, %add3A_133 : vector<16xi32>
      %gather3A_135 = tpu.vector_load_idx %arg5[%add3A_134] : memref<256xf32, #tpu.memory_space<vmem>>[vector<16xi32>], vector<16xf32>,
      %add3A_136 = arith.addf %add3A_131, %gather3A_135 : vector<16xf32>
      %add3A_137 = arith.constant 13 : i32
      %add3A_138 = vector.broadcast %add3A_137 : i32 to vector<16xi32>
      %add3A_139 = arith.addi %mul3A_71, %add3A_138 : vector<16xi32>
      %gather3A_140 = tpu.vector_load_idx %arg5[%add3A_139] : memref<256xf32, #tpu.memory_space<vmem>>[vector<16xi32>], vector<16xf32>,
      %add3A_141 = arith.addf %add3A_136, %gather3A_140 : vector<16xf32>
      %add3A_142 = arith.constant 14 : i32
      %add3A_143 = vector.broadcast %add3A_142 : i32 to vector<16xi32>
      %add3A_144 = arith.addi %mul3A_71, %add3A_143 : vector<16xi32>
      %gather3A_145 = tpu.vector_load_idx %arg5[%add3A_144] : memref<256xf32, #tpu.memory_space<vmem>>[vector<16xi32>], vector<16xf32>,
      %add3A_146 = arith.addf %add3A_141, %gather3A_145 : vector<16xf32>
      %add3A_147 = arith.constant 15 : i32
      %add3A_148 = vector.broadcast %add3A_147 : i32 to vector<16xi32>
      %add3A_149 = arith.addi %mul3A_71, %add3A_148 : vector<16xi32>
      %gather3A_150 = tpu.vector_load_idx %arg5[%add3A_149] : memref<256xf32, #tpu.memory_space<vmem>>[vector<16xi32>], vector<16xf32>,
      %add3A_151 = arith.addf %add3A_146, %gather3A_150 : vector<16xf32>
      %masked_sort3A = arith.constant dense<true> : vector<16xi1>
      %masked_sort3A_152, %masked_sort3A_153, %masked_sort3A_154 = tpu.sort %add3A_151, %add3A_151 masked %masked_sort3A {descending = true} : (vector<16xf32>, vector<16xf32>, vector<16xi1>) -> (vector<16xi1>, vector<16xf32>, vector<16xf32>)
      %lt3A_155 = arith.constant 8 : i32
      %lt3A_156 = vector.broadcast %lt3A_155 : i32 to vector<16xi32>
      %lt3A_157 = arith.cmpi slt, %iota3A, %lt3A_156 : vector<16xi32>
      %jit3A = arith.constant 0.000000e+00 : f32
      %broadcast_in_dim3A_158 = vector.broadcast %jit3A : f32 to vector<16xf32>
      %select_n3A = arith.select %lt3A_157, %masked_sort3A_153, %broadcast_in_dim3A_158 : vector<16xi1>, vector<16xf32>
      %swap3A_159 = arith.constant 0 : index
      %swap3A_160 = tpu.vector_load %arg6[%swap3A_159] {strides = array<i32>} : memref<16xf32, #tpu.memory_space<vmem>>, vector<16xf32>,
      tpu.vector_store %arg6[%swap3A_159], %select_n3A {strides = array<i32>} : memref<16xf32, #tpu.memory_space<vmem>>, vector<16xf32>,
      "tpu.region"() ({
        %run_scoped3A = tpu.sem_alloc : memref<!tpu.dma_semaphore, #tpu.memory_space<semaphore_mem>>
        %dma_start3A = arith.constant 0 : i32
        %dma_start3A_161 = tpu.memref_slice %arg3[%arg1, %dma_start3A] : memref<4x16xf32, #tpu.memory_space<hbm>> -> memref<1x16xf32, #tpu.memory_space<hbm>>
        %dma_start3A_162 = tpu.memref_squeeze %dma_start3A_161 : memref<1x16xf32, #tpu.memory_space<hbm>> -> memref<16xf32, #tpu.memory_space<hbm>>
        %dma_start3A_163 = arith.constant 0 : i32
        %dma_start3A_164 = tpu.memref_slice %arg3[%arg1, %dma_start3A_163] : memref<4x16xf32, #tpu.memory_space<hbm>> -> memref<1x16xf32, #tpu.memory_space<hbm>>
        %dma_start3A_165 = tpu.memref_squeeze %dma_start3A_164 : memref<1x16xf32, #tpu.memory_space<hbm>> -> memref<16xf32, #tpu.memory_space<hbm>>
        tpu.enqueue_dma source(%arg6 : memref<16xf32, #tpu.memory_space<vmem>>) target(%dma_start3A_165 : memref<16xf32, #tpu.memory_space<hbm>>) target_semaphore(%run_scoped3A : memref<!tpu.dma_semaphore, #tpu.memory_space<semaphore_mem>>)
        %dma_wait3A = arith.constant 0 : i32
        %dma_wait3A_166 = tpu.memref_slice %arg3[%arg1, %dma_wait3A] : memref<4x16xf32, #tpu.memory_space<hbm>> -> memref<1x16xf32, #tpu.memory_space<hbm>>
        %dma_wait3A_167 = tpu.memref_squeeze %dma_wait3A_166 : memref<1x16xf32, #tpu.memory_space<hbm>> -> memref<16xf32, #tpu.memory_space<hbm>>
        %dma_wait3A_168 = arith.constant 0 : i32
        %dma_wait3A_169 = tpu.memref_slice %arg3[%arg1, %dma_wait3A_168] : memref<4x16xf32, #tpu.memory_space<hbm>> -> memref<1x16xf32, #tpu.memory_space<hbm>>
        %dma_wait3A_170 = tpu.memref_squeeze %dma_wait3A_169 : memref<1x16xf32, #tpu.memory_space<hbm>> -> memref<16xf32, #tpu.memory_space<hbm>>
        tpu.wait_dma2 semaphore(%run_scoped3A : memref<!tpu.dma_semaphore, #tpu.memory_space<semaphore_mem>>) src(%arg6 : memref<16xf32, #tpu.memory_space<vmem>>) dst(%dma_wait3A_170 : memref<16xf32, #tpu.memory_space<hbm>>)
        tpu.yield
      }) : () -> ()
    } else {
    }
    return
  }
}

module attributes {stable_mosaic.version = 14 : i64} {
  func.func @_scale_kernel(%arg0: memref<4x1024xf32, #tpu.memory_space<vmem>>, %arg1: memref<4x16xf32, #tpu.memory_space<vmem>>, %arg2: memref<4x1024xf32, #tpu.memory_space<vmem>>) attributes {dimension_semantics = [], scalar_prefetch = 0 : i64, scratch_operands = 0 : i64, tpu.core_type = #tpu.core_type<tc>} {
    %get3A = arith.constant 0 : index
    %get3A_0 = arith.constant 0 : index
    %get3A_1 = vector.load %arg1[%get3A, %get3A_0] : memref<4x16xf32, #tpu.memory_space<vmem>>, vector<4x16xf32>
    %reduce_sum3A = arith.constant dense<0.000000e+00> : vector<4xf32>
    %reduce_sum3A_2 = vector.multi_reduction <add>, %get3A_1, %reduce_sum3A [1] : vector<4x16xf32> to vector<4xf32>
    %broadcast_in_dim3A = vector.shape_cast %reduce_sum3A_2 : vector<4xf32> to vector<4x1xf32>
    %mul3A = arith.constant 1.250000e-01 : f32
    %mul3A_3 = vector.broadcast %mul3A : f32 to vector<4x1xf32>
    %mul3A_4 = arith.mulf %broadcast_in_dim3A, %mul3A_3 : vector<4x1xf32>
    %get3A_5 = arith.constant 0 : index
    %get3A_6 = arith.constant 0 : index
    %get3A_7 = vector.load %arg0[%get3A_5, %get3A_6] : memref<4x1024xf32, #tpu.memory_space<vmem>>, vector<4x1024xf32>
    %mul3A_8 = vector.broadcast %mul3A_4 : vector<4x1xf32> to vector<4x1024xf32>
    %mul3A_9 = arith.mulf %get3A_7, %mul3A_8 : vector<4x1024xf32>
    %swap3A = arith.constant 0 : index
    %swap3A_10 = arith.constant 0 : index
    %swap3A_11 = vector.load %arg2[%swap3A, %swap3A_10] : memref<4x1024xf32, #tpu.memory_space<vmem>>, vector<4x1024xf32>
    tpu.vector_store %arg2[%swap3A, %swap3A_10], %mul3A_9 {strides = array<i32>} : memref<4x1024xf32, #tpu.memory_space<vmem>>, vector<4x1024xf32>,
    return
  }
}

module attributes {stable_mosaic.version = 14 : i64} {
  func.func @_moe_kernel(%arg0: i32, %arg1: memref<4x16x1024xf32, #tpu.memory_space<vmem>>, %arg2: memref<1x1024x128xf32, #tpu.memory_space<vmem>>, %arg3: memref<1x1024x128xf32, #tpu.memory_space<vmem>>, %arg4: memref<1x1024x128xf32, #tpu.memory_space<vmem>>, %arg5: memref<1x1024x128xf32, #tpu.memory_space<vmem>>, %arg6: memref<1x128x1024xf32, #tpu.memory_space<vmem>>, %arg7: memref<1x128x1024xf32, #tpu.memory_space<vmem>>, %arg8: memref<1x128x1024xf32, #tpu.memory_space<vmem>>, %arg9: memref<1x128x1024xf32, #tpu.memory_space<vmem>>, %arg10: memref<4x1024xf32, #tpu.memory_space<vmem>>) attributes {dimension_semantics = [#tpu.dimension_semantics<arbitrary>], iteration_bounds = array<i64: 2>, scalar_prefetch = 0 : i64, scratch_operands = 0 : i64, tpu.core_type = #tpu.core_type<tc>, window_params = [{pipeline_mode = #tpu.pipeline_mode<synchronous>, transform_indices = @transform_0, window_bounds = array<i64: 4, 16, 1024>}, {transform_indices = @transform_1, window_bounds = array<i64: 1, 1024, 128>}, {transform_indices = @transform_2, window_bounds = array<i64: 1, 1024, 128>}, {transform_indices = @transform_3, window_bounds = array<i64: 1, 1024, 128>}, {transform_indices = @transform_4, window_bounds = array<i64: 1, 1024, 128>}, {transform_indices = @transform_5, window_bounds = array<i64: 1, 128, 1024>}, {transform_indices = @transform_6, window_bounds = array<i64: 1, 128, 1024>}, {transform_indices = @transform_7, window_bounds = array<i64: 1, 128, 1024>}, {transform_indices = @transform_8, window_bounds = array<i64: 1, 128, 1024>}, {pipeline_mode = #tpu.pipeline_mode<synchronous>, transform_indices = @transform_9, window_bounds = array<i64: 4, 1024>}]} {
    %get3A = arith.constant 0 : index
    %get3A_0 = arith.constant 0 : index
    %get3A_1 = arith.constant 0 : index
    %get3A_2 = vector.load %arg1[%get3A, %get3A_0, %get3A_1] : memref<4x16x1024xf32, #tpu.memory_space<vmem>>, vector<4x1x1024xf32>
    %get3A_3 = vector.shape_cast %get3A_2 : vector<4x1x1024xf32> to vector<4x1024xf32>
    %broadcast_in_dim3A = arith.constant 0.000000e+00 : f32
    %broadcast_in_dim3A_4 = vector.broadcast %broadcast_in_dim3A : f32 to vector<4x1024xf32>
    %get3A_5 = arith.constant 0 : index
    %get3A_6 = arith.constant 0 : index
    %get3A_7 = arith.constant 0 : index
    %get3A_8 = vector.load %arg2[%get3A_5, %get3A_6, %get3A_7] : memref<1x1024x128xf32, #tpu.memory_space<vmem>>, vector<1x1024x128xf32>
    %get3A_9 = vector.shape_cast %get3A_8 : vector<1x1024x128xf32> to vector<1024x128xf32>
    %dot_general3A = arith.constant dense<0.000000e+00> : vector<4x128xf32>
    %dot_general3A_10 = tpu.matmul %get3A_3, %get3A_9, %dot_general3A {dimension_numbers = #tpu.dot_dimension_numbers<[1], [0], [0], [1], [0, 0, 1, 1], [], []>, transpose_lhs_hint = false} : vector<4x1024xf32>, vector<1024x128xf32>, vector<4x128xf32> -> vector<4x128xf32>
    %get3A_11 = arith.constant 0 : index
    %get3A_12 = arith.constant 0 : index
    %get3A_13 = arith.constant 0 : index
    %get3A_14 = vector.load %arg6[%get3A_11, %get3A_12, %get3A_13] : memref<1x128x1024xf32, #tpu.memory_space<vmem>>, vector<1x128x1024xf32>
    %get3A_15 = vector.shape_cast %get3A_14 : vector<1x128x1024xf32> to vector<128x1024xf32>
    %dot_general3A_16 = arith.constant dense<0.000000e+00> : vector<4x1024xf32>
    %dot_general3A_17 = tpu.matmul %dot_general3A_10, %get3A_15, %dot_general3A_16 {dimension_numbers = #tpu.dot_dimension_numbers<[1], [0], [0], [1], [0, 0, 1, 1], [], []>, transpose_lhs_hint = false} : vector<4x128xf32>, vector<128x1024xf32>, vector<4x1024xf32> -> vector<4x1024xf32>
    %add3A = arith.addf %broadcast_in_dim3A_4, %dot_general3A_17 : vector<4x1024xf32>
    %get3A_18 = arith.constant 0 : index
    %get3A_19 = arith.constant 0 : index
    %get3A_20 = arith.constant 0 : index
    %get3A_21 = vector.load %arg3[%get3A_18, %get3A_19, %get3A_20] : memref<1x1024x128xf32, #tpu.memory_space<vmem>>, vector<1x1024x128xf32>
    %get3A_22 = vector.shape_cast %get3A_21 : vector<1x1024x128xf32> to vector<1024x128xf32>
    %dot_general3A_23 = arith.constant dense<0.000000e+00> : vector<4x128xf32>
    %dot_general3A_24 = tpu.matmul %get3A_3, %get3A_22, %dot_general3A_23 {dimension_numbers = #tpu.dot_dimension_numbers<[1], [0], [0], [1], [0, 0, 1, 1], [], []>, transpose_lhs_hint = false} : vector<4x1024xf32>, vector<1024x128xf32>, vector<4x128xf32> -> vector<4x128xf32>
    %get3A_25 = arith.constant 0 : index
    %get3A_26 = arith.constant 0 : index
    %get3A_27 = arith.constant 0 : index
    %get3A_28 = vector.load %arg7[%get3A_25, %get3A_26, %get3A_27] : memref<1x128x1024xf32, #tpu.memory_space<vmem>>, vector<1x128x1024xf32>
    %get3A_29 = vector.shape_cast %get3A_28 : vector<1x128x1024xf32> to vector<128x1024xf32>
    %dot_general3A_30 = arith.constant dense<0.000000e+00> : vector<4x1024xf32>
    %dot_general3A_31 = tpu.matmul %dot_general3A_24, %get3A_29, %dot_general3A_30 {dimension_numbers = #tpu.dot_dimension_numbers<[1], [0], [0], [1], [0, 0, 1, 1], [], []>, transpose_lhs_hint = false} : vector<4x128xf32>, vector<128x1024xf32>, vector<4x1024xf32> -> vector<4x1024xf32>
    %add3A_32 = arith.addf %add3A, %dot_general3A_31 : vector<4x1024xf32>
    %get3A_33 = arith.constant 0 : index
    %get3A_34 = arith.constant 0 : index
    %get3A_35 = arith.constant 0 : index
    %get3A_36 = vector.load %arg4[%get3A_33, %get3A_34, %get3A_35] : memref<1x1024x128xf32, #tpu.memory_space<vmem>>, vector<1x1024x128xf32>
    %get3A_37 = vector.shape_cast %get3A_36 : vector<1x1024x128xf32> to vector<1024x128xf32>
    %dot_general3A_38 = arith.constant dense<0.000000e+00> : vector<4x128xf32>
    %dot_general3A_39 = tpu.matmul %get3A_3, %get3A_37, %dot_general3A_38 {dimension_numbers = #tpu.dot_dimension_numbers<[1], [0], [0], [1], [0, 0, 1, 1], [], []>, transpose_lhs_hint = false} : vector<4x1024xf32>, vector<1024x128xf32>, vector<4x128xf32> -> vector<4x128xf32>
    %get3A_40 = arith.constant 0 : index
    %get3A_41 = arith.constant 0 : index
    %get3A_42 = arith.constant 0 : index
    %get3A_43 = vector.load %arg8[%get3A_40, %get3A_41, %get3A_42] : memref<1x128x1024xf32, #tpu.memory_space<vmem>>, vector<1x128x1024xf32>
    %get3A_44 = vector.shape_cast %get3A_43 : vector<1x128x1024xf32> to vector<128x1024xf32>
    %dot_general3A_45 = arith.constant dense<0.000000e+00> : vector<4x1024xf32>
    %dot_general3A_46 = tpu.matmul %dot_general3A_39, %get3A_44, %dot_general3A_45 {dimension_numbers = #tpu.dot_dimension_numbers<[1], [0], [0], [1], [0, 0, 1, 1], [], []>, transpose_lhs_hint = false} : vector<4x128xf32>, vector<128x1024xf32>, vector<4x1024xf32> -> vector<4x1024xf32>
    %add3A_47 = arith.addf %add3A_32, %dot_general3A_46 : vector<4x1024xf32>
    %get3A_48 = arith.constant 0 : index
    %get3A_49 = arith.constant 0 : index
    %get3A_50 = arith.constant 0 : index
    %get3A_51 = vector.load %arg5[%get3A_48, %get3A_49, %get3A_50] : memref<1x1024x128xf32, #tpu.memory_space<vmem>>, vector<1x1024x128xf32>
    %get3A_52 = vector.shape_cast %get3A_51 : vector<1x1024x128xf32> to vector<1024x128xf32>
    %dot_general3A_53 = arith.constant dense<0.000000e+00> : vector<4x128xf32>
    %dot_general3A_54 = tpu.matmul %get3A_3, %get3A_52, %dot_general3A_53 {dimension_numbers = #tpu.dot_dimension_numbers<[1], [0], [0], [1], [0, 0, 1, 1], [], []>, transpose_lhs_hint = false} : vector<4x1024xf32>, vector<1024x128xf32>, vector<4x128xf32> -> vector<4x128xf32>
    %get3A_55 = arith.constant 0 : index
    %get3A_56 = arith.constant 0 : index
    %get3A_57 = arith.constant 0 : index
    %get3A_58 = vector.load %arg9[%get3A_55, %get3A_56, %get3A_57] : memref<1x128x1024xf32, #tpu.memory_space<vmem>>, vector<1x128x1024xf32>
    %get3A_59 = vector.shape_cast %get3A_58 : vector<1x128x1024xf32> to vector<128x1024xf32>
    %dot_general3A_60 = arith.constant dense<0.000000e+00> : vector<4x1024xf32>
    %dot_general3A_61 = tpu.matmul %dot_general3A_54, %get3A_59, %dot_general3A_60 {dimension_numbers = #tpu.dot_dimension_numbers<[1], [0], [0], [1], [0, 0, 1, 1], [], []>, transpose_lhs_hint = false} : vector<4x128xf32>, vector<128x1024xf32>, vector<4x1024xf32> -> vector<4x1024xf32>
    %add3A_62 = arith.addf %add3A_47, %dot_general3A_61 : vector<4x1024xf32>
    %eq3A = arith.constant 0 : i32
    %eq3A_63 = arith.cmpi eq, %arg0, %eq3A : i32
    %convert_element_type3A = arith.extui %eq3A_63 : i1 to i32
    %cond3A = arith.constant 0 : i32
    %cond3A_64 = arith.cmpi ne, %convert_element_type3A, %cond3A : i32
    scf.if %cond3A_64 {
      %swap3A = arith.constant 0 : index
      %swap3A_69 = arith.constant 0 : index
      %swap3A_70 = vector.load %arg10[%swap3A, %swap3A_69] : memref<4x1024xf32, #tpu.memory_space<vmem>>, vector<4x1024xf32>
      tpu.vector_store %arg10[%swap3A, %swap3A_69], %add3A_62 {strides = array<i32>} : memref<4x1024xf32, #tpu.memory_space<vmem>>, vector<4x1024xf32>,
    } else {
    }
    %gt3A = arith.constant 0 : i32
    %gt3A_65 = arith.cmpi sgt, %arg0, %gt3A : i32
    %convert_element_type3A_66 = arith.extui %gt3A_65 : i1 to i32
    %cond3A_67 = arith.constant 0 : i32
    %cond3A_68 = arith.cmpi ne, %convert_element_type3A_66, %cond3A_67 : i32
    scf.if %cond3A_68 {
      %get3A_69 = arith.constant 0 : index
      %get3A_70 = arith.constant 0 : index
      %get3A_71 = vector.load %arg10[%get3A_69, %get3A_70] : memref<4x1024xf32, #tpu.memory_space<vmem>>, vector<4x1024xf32>
      %add3A_72 = arith.addf %get3A_71, %add3A_62 : vector<4x1024xf32>
      %swap3A = arith.constant 0 : index
      %swap3A_73 = arith.constant 0 : index
      %swap3A_74 = vector.load %arg10[%swap3A, %swap3A_73] : memref<4x1024xf32, #tpu.memory_space<vmem>>, vector<4x1024xf32>
      tpu.vector_store %arg10[%swap3A, %swap3A_73], %add3A_72 {strides = array<i32>} : memref<4x1024xf32, #tpu.memory_space<vmem>>, vector<4x1024xf32>,
    } else {
    }
    return
  }
  func.func @transform_0(%arg0: i32) -> (i32, i32, i32) {
    %c0_i32 = arith.constant 0 : i32
    %c0_i32_0 = arith.constant 0 : i32
    %c0_i32_1 = arith.constant 0 : i32
    %c0_i32_2 = arith.constant 0 : i32
    return %c0_i32, %c0_i32_0, %c0_i32_1 : i32, i32, i32
  }
  func.func @transform_1(%arg0: i32) -> (i32, i32, i32) {
    %add3A = arith.constant 0 : i32
    %add3A_0 = arith.addi %add3A, %arg0 : i32
    %c0_i32 = arith.constant 0 : i32
    %c0_i32_1 = arith.constant 0 : i32
    %c0_i32_2 = arith.constant 0 : i32
    return %c0_i32, %c0_i32_1, %add3A_0 : i32, i32, i32
  }
  func.func @transform_2(%arg0: i32) -> (i32, i32, i32) {
    %add3A = arith.constant 2 : i32
    %add3A_0 = arith.addi %add3A, %arg0 : i32
    %c0_i32 = arith.constant 0 : i32
    %c0_i32_1 = arith.constant 0 : i32
    %c0_i32_2 = arith.constant 0 : i32
    return %c0_i32, %c0_i32_1, %add3A_0 : i32, i32, i32
  }
  func.func @transform_3(%arg0: i32) -> (i32, i32, i32) {
    %add3A = arith.constant 4 : i32
    %add3A_0 = arith.addi %add3A, %arg0 : i32
    %c0_i32 = arith.constant 0 : i32
    %c0_i32_1 = arith.constant 0 : i32
    %c0_i32_2 = arith.constant 0 : i32
    return %c0_i32, %c0_i32_1, %add3A_0 : i32, i32, i32
  }
  func.func @transform_4(%arg0: i32) -> (i32, i32, i32) {
    %add3A = arith.constant 6 : i32
    %add3A_0 = arith.addi %add3A, %arg0 : i32
    %c0_i32 = arith.constant 0 : i32
    %c0_i32_1 = arith.constant 0 : i32
    %c0_i32_2 = arith.constant 0 : i32
    return %c0_i32, %c0_i32_1, %add3A_0 : i32, i32, i32
  }
  func.func @transform_5(%arg0: i32) -> (i32, i32, i32) {
    %add3A = arith.constant 0 : i32
    %add3A_0 = arith.addi %add3A, %arg0 : i32
    %c0_i32 = arith.constant 0 : i32
    %c0_i32_1 = arith.constant 0 : i32
    %c0_i32_2 = arith.constant 0 : i32
    return %c0_i32, %add3A_0, %c0_i32_1 : i32, i32, i32
  }
  func.func @transform_6(%arg0: i32) -> (i32, i32, i32) {
    %add3A = arith.constant 2 : i32
    %add3A_0 = arith.addi %add3A, %arg0 : i32
    %c0_i32 = arith.constant 0 : i32
    %c0_i32_1 = arith.constant 0 : i32
    %c0_i32_2 = arith.constant 0 : i32
    return %c0_i32, %add3A_0, %c0_i32_1 : i32, i32, i32
  }
  func.func @transform_7(%arg0: i32) -> (i32, i32, i32) {
    %add3A = arith.constant 4 : i32
    %add3A_0 = arith.addi %add3A, %arg0 : i32
    %c0_i32 = arith.constant 0 : i32
    %c0_i32_1 = arith.constant 0 : i32
    %c0_i32_2 = arith.constant 0 : i32
    return %c0_i32, %add3A_0, %c0_i32_1 : i32, i32, i32
  }
  func.func @transform_8(%arg0: i32) -> (i32, i32, i32) {
    %add3A = arith.constant 6 : i32
    %add3A_0 = arith.addi %add3A, %arg0 : i32
    %c0_i32 = arith.constant 0 : i32
    %c0_i32_1 = arith.constant 0 : i32
    %c0_i32_2 = arith.constant 0 : i32
    return %c0_i32, %add3A_0, %c0_i32_1 : i32, i32, i32
  }
  func.func @transform_9(%arg0: i32) -> (i32, i32) {
    %c0_i32 = arith.constant 0 : i32
    %c0_i32_0 = arith.constant 0 : i32
    %c0_i32_1 = arith.constant 0 : i32
    return %c0_i32, %c0_i32_0 : i32, i32
  }
}

</mosaic_0001>

<sc_bundles>
// kernel: kernel.5.cloned.1.call-start
scs
__scs_entry_jumppad:
0x0: {  	(pc) =	sbr.rel $0x88, $3  }
0x1: {  	(tag) =	ssettag $0x0;
	lr =	simm.s32 $0x1  }
0x2: {  	[smem:$0x3F9E] =	sst lr;
	_ =	strace $0xD0000000  }
0x3: {  	_ = 	snop  }
0x4: {  	_ = 	snop  }
0x5: {  	_ = 	snop  }
0x6: {  	_ = 	snop  }
0x7: {  	_ = 	snop  }
__scs_overlays_trampoline_lowered:
0x8: {  	[smem:$0x3FAD] =	sst s0  }
0x9: {  	[smem:$0x3FAE] =	sst s1  }
0xa: {  	[smem:$0x3FAF] =	sst s2  }
0xb: {  	[smem:$0x3FB0] =	sst s3  }
0xc: {  	[smem:$0x3FB1] =	sst s4  }
0xd: {  	[smem:$0x3FB2] =	sst s5  }
0xe: {  	[smem:$0x3FB3] =	sst s6  }
0xf: {  	[smem:$0x3FB4] =	sst s7  }
0x10: {  	[smem:$0x3FB5] =	sst s8  }
0x11: {  	[smem:$0x3FB6] =	sst s9;
	s0 =	simm.s32 @!p0 $0x0  }
0x12: {  	s1 =	sld [smem:$0x3F9C];
	s0 =	simm.s32 @p0 $0x1  }
0x13: {  	[smem:$0x3FB7] =	sst s0;
	s0 =	simm.s32 @!p1 $0x0  }
0x14: {  	s2 =	sld [smem:$0x3F9B];
	s0 =	simm.s32 @p1 $0x1  }
0x15: {  	[smem:$0x3FB8] =	sst s0;
	s0 =	simm.s32 @!p2 $0x0  }
0x16: {  	s3 =	sld [smem:$0x3FDB];
	s0 =	simm.s32 @p2 $0x1  }
0x17: {  	s4 =	simm.s32 $0x1BF5;
	[smem:$0x3FBA] =	sst s0  }
0x18: {  	s0 =	sld [smem:$0x3F9D];
	_ =	swait.ge [sflag:s4], $0x0  }
0x19: {  	s7 =	sld [smem:$0x3F9E]  }
0x1a: {  	s8 =	sadd.s32 $0xFFFFE003, lr  }
0x1b: {  	s9 =	sadd.s32 $0xFFFFFEF7, lr;
	s5 =	simm.s32 $0xFFFFFFFF;
	p2 =	slt.u32 s8, $0xFFFFF086  }
0x1c: {  	p1 =	slt.u32 s9, $0xF7A;
	s5 =	simm.s32 @!p2 $0x0  }
0x1d: {  	s5 =	simm.s32 @p1 $0x1;
	p0 =	seq.s32 s7, s2  }
0x1e: {  	s7 =	smul.u32 @!p0 $0xF7A, s2;
	p2 =	seq.s32 @!p0 s5, $0x0  }
0x1f: {  	s9 =	smul.u32 $0xF7A, s1;
	s8 =	simm.s32 @!p0 $0x1BF5;
	p2 =	por !p2, p0  }
0x20: {  	[sflag:s8] =	ssyncset.s32 @!p0 $0xFFFFF086;
	s6 =	sadd.s32 @!p0 s3, s7;
	s7 =	simm.s32 @!p0 $0x108  }
0x21: {  	s3 =	sadd.s32 s3, s9;
	s6 =	sadd.s32 @!p0 $0x88, s6;
	s7 =	simm.s32 @p2 $0x1082  }
0x22: {  	[simem:s7], [sflag:s8] =	dma.local @!p0 [hbm:s6], $0xF7A  }
0x23: {  	s9 =	sor.u32 $0xD0000000, s2;
	s6 =	simm.s32 $0x108;
	_ =	swait.ge @!p0 [sflag:s8], $0x0  }
0x24: {  	s3 =	sadd.s32 $0x88, s3;
	s6 =	simm.s32 @!p1 $0x1082;
	[sflag:s4] =	ssyncset.s32 $0xFFFFF086  }
0x25: {  	[simem:s6], [sflag:s4] =	dma.local [hbm:s3], $0xF7A  }
0x26: {  	[smem:$0x3F9E] =	sst s1;
	(tag) =	ssettag s2;
	_ =	strace s9  }
0x27: {  	s1 =	sld [smem:$0x3FAE]  }
0x28: {  	s2 =	sld [smem:$0x3FAF]  }
0x29: {  	s4 =	sld [smem:$0x3FB1]  }
0x2a: {  	p0 =	seq.s32 s5, $0x0;
	s5 =	sld [smem:$0x3FB2]  }
0x2b: {  	s6 =	sld [smem:$0x3FB3]  }
0x2c: {  	s7 =	sld [smem:$0x3FB4]  }
0x2d: {  	s3 =	simm.s32 $0x108;
	s8 =	sld [smem:$0x3FB5]  }
0x2e: {  	s3 =	simm.s32 @!p0 $0x1082;
	s9 =	sld [smem:$0x3FB6]  }
0x2f: {  	lr =	sadd.s32 s0, s3;
	s0 =	sld [smem:$0x3FAD]  }
0x30: {  	s3 =	sld [smem:$0x3FB0]  }
0x31: {  	[smem:$0x3FB9] =	sst s10  }
0x32: {  	s10 =	sld [smem:$0x3FB7];
	_ =	sdelay $0x3  }
0x33: {  	p0 =	seq.s32 s10, $0x1;
	s10 =	sld [smem:$0x3FB9];
	_ =	sdelay $0x3  }
0x34: {  	[smem:$0x3FB9] =	sst s10  }
0x35: {  	s10 =	sld [smem:$0x3FB8];
	_ =	sdelay $0x3  }
0x36: {  	p1 =	seq.s32 s10, $0x1;
	s10 =	sld [smem:$0x3FB9];
	_ =	sdelay $0x3  }
0x37: {  	[smem:$0x3FB9] =	sst s10  }
0x38: {  	s10 =	sld [smem:$0x3FBA]  }
0x39: {  	_ = 	snop;
	(pc) =	sbr.ind lr, $3  }
0x3a: {  	_ = 	snop  }
0x3b: {  	_ = 	snop  }
0x3c: {  	p2 =	seq.s32 s10, $0x1;
	s10 =	sld [smem:$0x3FB9]  }
0x3d: {  	_ =	shalt  }
0x3e: {  	_ =	shalt  }
0x3f: {  	_ =	shalt  }
0x40: {  	_ =	shalt  }
0x41: {  	_ =	shalt  }
0x42: {  	_ =	shalt  }
0x43: {  	_ =	shalt  }
0x44: {  	_ =	shalt  }
0x45: {  	_ =	shalt  }
0x46: {  	_ =	shalt  }
0x47: {  	_ =	shalt  }
0x48: {  	_ =	shalt  }
0x49: {  	_ =	shalt  }
0x4a: {  	_ =	shalt  }
0x4b: {  	_ =	shalt  }
0x4c: {  	_ =	shalt  }
0x4d: {  	_ =	shalt  }
0x4e: {  	_ =	shalt  }
0x4f: {  	_ =	shalt  }
0x50: {  	_ =	shalt  }
0x51: {  	_ =	shalt  }
0x52: {  	_ =	shalt  }
0x53: {  	_ =	shalt  }
0x54: {  	_ =	shalt  }
0x55: {  	_ =	shalt  }
0x56: {  	_ =	shalt  }
0x57: {  	_ =	shalt  }
0x58: {  	_ =	shalt  }
0x59: {  	_ =	shalt  }
0x5a: {  	_ =	shalt  }
0x5b: {  	_ =	shalt  }
0x5c: {  	_ =	shalt  }
0x5d: {  	_ =	shalt  }
0x5e: {  	_ =	shalt  }
0x5f: {  	_ =	shalt  }
0x60: {  	_ =	shalt  }
0x61: {  	_ =	shalt  }
0x62: {  	_ =	shalt  }
0x63: {  	_ =	shalt  }
0x64: {  	_ =	shalt  }
0x65: {  	_ =	shalt  }
0x66: {  	_ =	shalt  }
0x67: {  	_ =	shalt  }
0x68: {  	_ =	shalt  }
0x69: {  	_ =	shalt  }
0x6a: {  	_ =	shalt  }
0x6b: {  	_ =	shalt  }
0x6c: {  	_ =	shalt  }
0x6d: {  	_ =	shalt  }
0x6e: {  	_ =	shalt  }
0x6f: {  	_ =	shalt  }
0x70: {  	_ =	shalt  }
0x71: {  	_ =	shalt  }
0x72: {  	_ =	shalt  }
0x73: {  	_ =	shalt  }
0x74: {  	_ =	shalt  }
0x75: {  	_ =	shalt  }
0x76: {  	_ =	shalt  }
0x77: {  	_ =	shalt  }
0x78: {  	_ =	shalt  }
0x79: {  	_ =	shalt  }
0x7a: {  	_ =	shalt  }
0x7b: {  	_ =	shalt  }
0x7c: {  	_ =	shalt  }
0x7d: {  	_ =	shalt  }
0x7e: {  	_ =	shalt  }
0x7f: {  	_ =	shalt  }
0x80: {  	_ =	shalt  }
0x81: {  	_ =	shalt  }
0x82: {  	_ =	shalt  }
0x83: {  	_ =	shalt  }
0x84: {  	_ =	shalt  }
0x85: {  	_ =	shalt  }
0x86: {  	_ =	shalt  }
0x87: {  	_ =	shalt  }
.Lfunc_end0:
.L_simem_size_0:
called_computation_lowered:
.L_overlay_start_0:
0x88: {  	s0 =	sld [smem:$0x3FD9]  }
0x89: {  	s1 =	sld [smem:$0x3FFE];
	_ =	sdelay $0x3  }
0x8a: {  	s0 =	sadd.s32 s1, s0  }
0x8b: {  	[smem:$0x3FC5] =	sst s0  }
0x8c: {  	_ = 	snop  }
0x8d: {  	s0 =	sld [smem:$0x3FD0];
	(tm) =	ssettm $0x1  }
0x8e: {  	s16 =	sld [smem:$0x3FFB];
	_ =	sdelay $0x3  }
0x8f: {  	_ =	strace s16  }
0x90: {  	s1 =	sld [smem:$0x3FFC];
	_ =	sdelay $0x3  }
0x91: {  	_ =	strace s1  }
0x92: {  	s1 =	sld [smem:$0x3FFD];
	_ =	sdelay $0x3  }
0x93: {  	_ =	strace s1  }
0x94: {  	_ =	strace $0x8FFFFFFF  }
0x95: {  	s17 =	sld [smem:$0x3FDB];
	_ =	sdelay $0x1  }
0x96: {  	s2 =	simm.s32 $_scs_section_size  }
0x97: {  	s3 =	simm.s32 $_size__tile_overlayer_lowered;
	s4 =	simm.s32 $_tile_overlayer_lowered  }
0x98: {  	s20 =	simm.s32 $0x1BFF;
	s19 =	sshll.u32 s4, $0x1;
	s1 =	sadd.s32 s2, s17  }
0x99: {  	s5 =	simm.s32 $0x0;
	s18 =	sshll.u32 s3, $0x1;
	s3 =	sadd.s32 s19, s1  }
0x9a: {  	[timem:s5], [sflag:s20] =	dma.local [hbm:s3], s18  }
0x9b: {  	_ =	swait.ge [sflag:s20], s18  }
0x9c: {  	s2 =	ssub.s32 $0x0, s18;
	[sflag:s20] =	ssyncset.done $0x0  }
0x9d: {  	[sflag:s20] =	ssyncadd.s32 s2;
	_ =	sdelay $0x1  }
0x9e: {  	s21 =	simm.s32 $0x1B8B  }
0x9f: {  	_ =	swait.ge [sflag:s21], $0x1  }
0xa0: {  	[sflag:s21] =	ssyncset.done $0x0  }
0xa1: {  	s23 =	simm.s32 $0x1B8E;
	s22 =	sld [smem:$0x3FFE];
	[sflag:s21] =	ssyncadd.s32 $0xFFFFFFFF  }
0xa2: {  	s24 =	simm.s32 $execute0_lowered;
	[smem:$0x3FD2] =	sst s23  }
0xa3: {  	s3 =	sshll.u32 s24, $0x1;
	_ =	strace $0x80000046;
	[dreg:$0x1] =	wrdreg $0xFFFFFFFF  }
0xa4: {  	s25 =	simm.s32 $_size_execute0_lowered;
	s1 =	sadd.s32 s1, s3;
	[dreg:$0x0] =	wrdreg $0x0  }
0xa5: {  	s3 =	sshll.u32 s25, $0x1;
	[dreg:$0x2] =	wrdreg s1  }
0xa6: {  	[dreg:$0x3] =	wrdreg s3  }
0xa7: {  	[dreg:$0x4] =	wrdreg $0xC0  }
0xa8: {  	_ =	task [dreg:s5], $0x5FFFF  }
0xa9: {  	[dreg:$0x1] =	wrdreg $0xFFFFFFFF  }
0xaa: {  	[dreg:$0x0] =	wrdreg $0x60  }
0xab: {  	[dreg:$0x2] =	wrdreg s22  }
0xac: {  	[dreg:$0x3] =	wrdreg s0  }
0xad: {  	[dreg:$0x4] =	wrdreg $0x9  }
0xae: {  	_ =	task.clear_ibuf [dreg:s5], $0x5FFFF;
	_ =	strace $0x90000046  }
0xaf: {  	s26 =	simm.s32 $0x9;
	_ =	strace $0x80000048  }
0xb0: {  	_ =	swait.ge [sflag:s26], $0x1  }
0xb1: {  	[sflag:s26] =	ssyncadd.s32 $0xFFFFFFFF  }
0xb2: {  	_ =	strace $0x90000048  }
0xb3: {  	_ =	sfence  }
0xb4: {  	s28 =	sld [smem:$0x0];
	_ =	sdelay $0x1  }
0xb5: {  	s29 =	srdreg.scid  }
0xb6: {  	s30 =	sshll.u32 s29, $0xD;
	s31 =	sshrl.u32 s29, $0x2  }
0xb7: {  	s2 =	sand.u32 $0x4000, s30;
	s1 =	sand.u32 $0x1, s29;
	s0 =	sadd.s32 s31, s28  }
0xb8: {  	s1 =	sor.u32 s2, s1;
	s0 =	sshll.u32 s0, $0x11  }
0xb9: {  	s0 =	sor.u32 s0, s1  }
0xba: {  	s0 =	sadd.s32 $0x8F2B, s0  }
0xbb: {  	[sflag:s0] =	ssyncadd.remote.s32 $0x1  }
0xbc: {  	_ =	sfence.sel $0xFFFF  }
0xbd: {  	[dreg:$0x0] =	wrdreg $0xFFFFFFFF;
	(pc) =	sbr.abs _section_cstart, $3  }
0xbe: {  	[dreg:$0x1] =	wrdreg $0xFFFFFFFF  }
0xbf: {  	_ =	task.clear_ibuf [dreg:s5], $0x2FFFF;
	_ =	strace $0x9FFFFFFF  }
0xc0: {  	(tm) =	ssettm $0x7FFFFFFF  }
0xc1: {  	_ =	shalt  }
tec
execute0_lowered:
.L_overlay_start_1:
0x0: {  	(tag) =	ssettag $0x1  }
0x1: {  	s1 =	stileid.u32  }
0x2: {  	p0 =	sgt.u32 s1, $0x3  }
.Ltmp0:
0x3: {  	_ = 	snop;
	(pc) =	sbr.rel @p0 .LBB2_4-.Ltmp0, $4  }
0x4: {  	s4 =	rddreg [dreg:$0x0]  }
0x5: {  	s2 =	rddreg [dreg:$0x1];
	s3 =	simm.s32 $0x0  }
0x6: {  	[smem:$0x7FF] =	sst s3  }
0x7: {  	s0 =	rddreg [dreg:$0x2];
	_ =	strace $0x80000047  }
0x8: {  	s4 =	sadd.s32 $0x800, s4;
	s5 =	sshll.u32 s1, $0x4;
	s6 =	simm.s32 $0x80  }
0x9: {  	s7 =	simm.s32 $0x200;
	s30 =	simm.s32 $0x1;
	s4 =	sadd.s32 s4, s5  }
0xa: {  	[tilespmem:s3], [sflag:$0x1] =	stream.strided.gather [hbm4b:s4+s6], $0x4000, s7, s6, $0x38;
	[tilespmem:$0x4180] =	vst v63  }
0xb: {  	_ =	swait.ge [sflag:s30], $0x4000  }
0xc: {  	[sflag:s30] =	ssyncset.done $0x0  }
0xd: {  	[sflag:s30] =	ssyncadd.s32 $0xFFFFC000  }
0xe: {  	s31 =	sand.u32 $0x3F0, s3;
	v0 =	vld [tilespmem:s3+$0x0]  }
0xf: {  	v2 =	vld [tilespmem:s31+$0x3C00]  }
0x10: {  	v3 =	vld [tilespmem:s31+$0x400]  }
0x11: {  	v4 =	vld [tilespmem:s31+$0x800]  }
0x12: {  	v5 =	vld [tilespmem:s31+$0xC00]  }
0x13: {  	v6 =	vld [tilespmem:s31+$0x1000]  }
0x14: {  	v7 =	vld [tilespmem:s31+$0x1400]  }
0x15: {  	v10 =	vld [tilespmem:s31+$0x1800]  }
0x16: {  	v14 =	vld [tilespmem:s31+$0x1C00]  }
0x17: {  	v1 =	vimm.f32 $0.0e+00;
	v16 =	vld [tilespmem:s31+$0x2000]  }
0x18: {  	v20 =	vld [tilespmem:s31+$0x2400];
	v12 =	vadd.f32 v0, v1  }
0x19: {  	v0 =	vadd.f32 v2, v1;
	v2 =	vld [tilespmem:s31+$0x2800];
	v15 =	vadd.f32 v3, v1  }
0x1a: {  	v17 =	vld [tilespmem:s31+$0x2C00];
	v13 =	vadd.f32 v4, v1;
	v11 =	vadd.f32 v5, v1  }
0x1b: {  	v18 =	vld [tilespmem:s31+$0x3000];
	v8 =	vadd.f32 v6, v1;
	v9 =	vadd.f32 v7, v1  }
0x1c: {  	v19 =	vld [tilespmem:s31+$0x3400];
	v6 =	vadd.f32 v10, v1;
	v7 =	vadd.f32 v14, v1  }
0x1d: {  	s4 =	simm.s32 $0x10;
	v4 =	vadd.f32 v16, v1;
	v5 =	vadd.f32 v20, v1;
	v16 =	vld [tilespmem:s31+$0x3800];
	v14 =	vimm.f32 $0.0e+00  }
0x1e: {  	s2 =	sadd.s32 s2, s5;
	s5 =	simm.s32 $0x20;
	s3 =	sand.u32 $0x3F0, s4;
	v20 =	vld [tilespmem:s4+$0x0];
	v10 =	vimm.f32 $0.0e+00;
	v3 =	vimm.f32 $0.0e+00;
	v2 =	vadd.f32 v2, v1  }
.LBB2_2:
0x1f: {  	p0 =	sne.s32 s5, $0x3F0;
	v21 =	vld [tilespmem:s3+$0x3C00];
	v1 =	vadd.f32 v17, v1  }
0x20: {  	v17 =	vld [tilespmem:s3+$0x400];
	v14 =	vadd.f32 v18, v14  }
0x21: {  	v18 =	vld [tilespmem:s3+$0x800];
	v10 =	vadd.f32 v19, v10  }
0x22: {  	v19 =	vld [tilespmem:s3+$0xC00];
	v3 =	vadd.f32 v16, v3  }
0x23: {  	v16 =	vld [tilespmem:s3+$0x1000]  }
0x24: {  	v12 =	vadd.f32 v20, v12;
	v20 =	vld [tilespmem:s3+$0x1400];
	v0 =	vadd.f32 v21, v0  }
0x25: {  	v15 =	vadd.f32 v17, v15;
	v17 =	vld [tilespmem:s3+$0x1800]  }
0x26: {  	v13 =	vadd.f32 v18, v13;
	v18 =	vld [tilespmem:s3+$0x1C00]  }
0x27: {  	v11 =	vadd.f32 v19, v11;
	v19 =	vld [tilespmem:s3+$0x2000]  }
0x28: {  	v8 =	vadd.f32 v16, v8;
	v16 =	vld [tilespmem:s3+$0x2400]  }
0x29: {  	v9 =	vadd.f32 v20, v9;
	v21 =	vld [tilespmem:s3+$0x2800]  }
.Ltmp1:
0x2a: {  	v6 =	vadd.f32 v17, v6;
	v17 =	vld [tilespmem:s3+$0x2C00];
	(pc) =	sbr.rel @p0 .LBB2_2-.Ltmp1, $4  }
0x2b: {  	v7 =	vadd.f32 v18, v7;
	v18 =	vld [tilespmem:s3+$0x3000]  }
0x2c: {  	v4 =	vadd.f32 v19, v4;
	v19 =	vld [tilespmem:s3+$0x3400]  }
0x2d: {  	s4 =	sadd.s32 $0x10, s4;
	v5 =	vadd.f32 v16, v5;
	v16 =	vld [tilespmem:s3+$0x3800]  }
0x2e: {  	s3 =	sand.u32 $0x3F0, s5;
	s5 =	sadd.s32 $0x10, s5;
	v20 =	vld [tilespmem:s4+$0x0];
	v2 =	vadd.f32 v21, v2  }
0x2f: {  	v21 =	vld [tilespmem:s3+$0x3C00]  }
0x30: {  	v22 =	vld [tilespmem:s3+$0x400]  }
0x31: {  	v23 =	vld [tilespmem:s3+$0x800]  }
0x32: {  	v24 =	vld [tilespmem:s3+$0xC00]  }
0x33: {  	v25 =	vld [tilespmem:s3+$0x1000]  }
0x34: {  	v26 =	vld [tilespmem:s3+$0x1400]  }
0x35: {  	v27 =	vld [tilespmem:s3+$0x1800]  }
0x36: {  	v28 =	vld [tilespmem:s3+$0x1C00]  }
0x37: {  	v29 =	vld [tilespmem:s3+$0x2000]  }
0x38: {  	v30 =	vld [tilespmem:s3+$0x2400]  }
0x39: {  	v31 =	vld [tilespmem:s3+$0x2800]  }
0x3a: {  	v32 =	vld [tilespmem:s3+$0x2C00]  }
0x3b: {  	v33 =	vld [tilespmem:s3+$0x3000];
	v12 =	vadd.f32 v20, v12  }
0x3c: {  	v42 =	vld [tilespmem:s3+$0x3400];
	v15 =	vadd.f32 v22, v15  }
0x3d: {  	v43 =	vld [tilespmem:s3+$0x3800];
	v13 =	vadd.f32 v23, v13;
	[tilespmem:$0x4000] =	vst v12  }
0x3e: {  	v11 =	vadd.f32 v24, v11;
	[tilespmem:$0x4010] =	vst v15  }
0x3f: {  	v8 =	vadd.f32 v25, v8;
	[tilespmem:$0x4020] =	vst v13  }
0x40: {  	v9 =	vadd.f32 v26, v9;
	[tilespmem:$0x4030] =	vst v11  }
0x41: {  	v6 =	vadd.f32 v27, v6;
	[tilespmem:$0x4040] =	vst v8  }
0x42: {  	v7 =	vadd.f32 v28, v7;
	[tilespmem:$0x4050] =	vst v9  }
0x43: {  	v4 =	vadd.f32 v29, v4;
	[tilespmem:$0x4060] =	vst v6  }
0x44: {  	v1 =	vadd.f32 v17, v1;
	v5 =	vadd.f32 v30, v5;
	[tilespmem:$0x4070] =	vst v7  }
0x45: {  	v3 =	vadd.f32 v16, v3;
	v2 =	vadd.f32 v31, v2;
	[tilespmem:$0x4080] =	vst v4  }
0x46: {  	v46 =	vlaneseq.u32;
	v1 =	vadd.f32 v32, v1;
	[tilespmem:$0x4090] =	vst v5  }
0x47: {  	v44 =	vadd.f32 v18, v14;
	v47 =	vmul.u32 $0x10, v46;
	v48 =	vadd.f32 v43, v3;
	[tilespmem:$0x40A0] =	vst v2  }
0x48: {  	v45 =	vadd.f32 v19, v10;
	v0 =	vadd.f32 v21, v0;
	[tilespmem:$0x40B0] =	vst v1  }
0x49: {  	v6 =	vadd.f32 v33, v44;
	[tilespmem:$0x40E0] =	vst v48  }
0x4a: {  	v49 =	vor.u32 $0x1, v47;
	v4 =	vadd.f32 v42, v45;
	[tilespmem:$0x40F0] =	vst v0  }
0x4b: {  	[tilespmem:$0x40C0] =	vst v6  }
0x4c: {  	s29 =	simm.s32 $0x4000;
	v50 =	vor.u32 $0x2, v47;
	[tilespmem:$0x40D0] =	vst v4  }
0x4d: {  	v1 =	vld.idx.msk [tilespmem:v47+s29+$0x0], $0xffff  }
0x4e: {  	v51 =	vor.u32 $0x3, v47  }
0x4f: {  	v3 =	vld.idx.msk [tilespmem:v49+s29+$0x0], $0xffff  }
0x50: {  	v5 =	vor.u32 $0x4, v47  }
0x51: {  	v0 =	vld.idx.msk [tilespmem:v50+s29+$0x0], $0xffff  }
0x52: {  	v52 =	vor.u32 $0x5, v47;
	v1 =	vadd.f32 $0.0e+00, v1  }
0x53: {  	v4 =	vld.idx.msk [tilespmem:v51+s29+$0x0], $0xffff  }
0x54: {  	v53 =	vor.u32 $0x6, v47;
	v1 =	vadd.f32 v3, v1  }
0x55: {  	v5 =	vld.idx.msk [tilespmem:v5+s29+$0x0], $0xffff  }
0x56: {  	v54 =	vor.u32 $0x7, v47;
	v0 =	vadd.f32 v0, v1  }
0x57: {  	v6 =	vld.idx.msk [tilespmem:v52+s29+$0x0], $0xffff  }
0x58: {  	v55 =	vor.u32 $0x8, v47;
	v0 =	vadd.f32 v4, v0  }
0x59: {  	v3 =	vld.idx.msk [tilespmem:v53+s29+$0x0], $0xffff  }
0x5a: {  	v56 =	vor.u32 $0x9, v47;
	v0 =	vadd.f32 v5, v0  }
0x5b: {  	v1 =	vld.idx.msk [tilespmem:v54+s29+$0x0], $0xffff  }
0x5c: {  	v57 =	vor.u32 $0xA, v47;
	v0 =	vadd.f32 v6, v0  }
0x5d: {  	v4 =	vld.idx.msk [tilespmem:v55+s29+$0x0], $0xffff  }
0x5e: {  	v58 =	vor.u32 $0xB, v47;
	v0 =	vadd.f32 v3, v0  }
0x5f: {  	v5 =	vld.idx.msk [tilespmem:v56+s29+$0x0], $0xffff  }
0x60: {  	v59 =	vor.u32 $0xC, v47;
	v0 =	vadd.f32 v1, v0  }
0x61: {  	v6 =	vld.idx.msk [tilespmem:v57+s29+$0x0], $0xffff  }
0x62: {  	v60 =	vor.u32 $0xD, v47;
	v0 =	vadd.f32 v4, v0  }
0x63: {  	v3 =	vld.idx.msk [tilespmem:v58+s29+$0x0], $0xffff  }
0x64: {  	v61 =	vor.u32 $0xE, v47;
	v0 =	vadd.f32 v5, v0  }
0x65: {  	v1 =	vld.idx.msk [tilespmem:v59+s29+$0x0], $0xffff  }
0x66: {  	v2 =	vor.u32 $0xF, v47;
	v0 =	vadd.f32 v6, v0  }
0x67: {  	v4 =	vld.idx.msk [tilespmem:v60+s29+$0x0], $0xffff  }
0x68: {  	v0 =	vadd.f32 v3, v0  }
0x69: {  	v62 =	vld.idx.msk [tilespmem:v61+s29+$0x0], $0xffff  }
0x6a: {  	v0 =	vadd.f32 v1, v0  }
0x6b: {  	v63 =	vld.idx.msk [tilespmem:v2+s29+$0x0], $0xffff  }
0x6c: {  	v0 =	vadd.f32 v4, v0;
	_ =	sdelay $0x1  }
0x6d: {  	v0 =	vadd.f32 v62, v0;
	_ =	sdelay $0x1  }
0x6e: {  	v0 =	vadd.f32 v63, v0;
	_ =	sdelay $0x1  }
0x6f: {  	(xrf1) =	vsort.dscd.msk.f32 $0xffff, v0, v0;
	_ =	sdelay $0xd  }
0x70: {  	vm0 =	vmmov $0xff;
	v0, _, _ =	vpop (xrf1)  }
0x71: {  	v0 =	vnsel vm0, $0x0, v0  }
0x72: {  	s30 =	simm.s32 $0x0;
	s4 =	simm.s32 $0x4100;
	s31 =	simm.s32 $0x1;
	[tilespmem:$0x4100] =	vst v0  }
0x73: {  	[hbm4b:s2+s30] =	stream.linear.scatter [tilespmem:s4], [sflag:$0x1], $0x80, $0x38;
	[tilespmem:$0x4180] =	vst v63  }
0x74: {  	_ =	swait.ge [sflag:s31], $0x80  }
0x75: {  	[sflag:s31] =	ssyncset.done $0x0  }
0x76: {  	[sflag:s31] =	ssyncadd.s32 $0xFFFFFF80  }
.LBB2_4:
0x77: {  	_ =	sfence.sel $0x180000  }
0x78: {  	[bflag:$0x0] =	sbarrier.arrive $0xFFFF  }
0x79: {  	p0 =	sne.s32 s1, $0x0;
	_ =	strace $0x90000047  }
0x7a: {  	s0 =	sadd.s32 @!p0 $0x100000, s0;
	[bflag:$0x2] =	sbarrier.arrive $0xFFFF  }
0x7b: {  	[sflag:s0] =	ssyncadd.tile.s32 @!p0 $0x1;
	_ =	shalt  }
.Lfunc_end2:
_tile_overlayer_lowered:
.L_overlay_start_2:
0x7c: {  	(tag) =	ssettag $0x2  }
0x7d: {  	s0 =	rddreg [dreg:$0x0];
	s2 =	stileid.u32  }
0x7e: {  	s1 =	rddreg [dreg:$0x1];
	p0 =	sne.s32 s2, $0x0  }
0x7f: {  	s3 =	rddreg [dreg:$0x2];
	[bflag:$0x3] =	sbarrier.arrive $0xFFFF;
	s2 =	simm.s32 @!p0 $0x1C01  }
0x80: {  	[timem:s3], [sflag:s2] =	dma.local @!p0 [hbm:s0], s1  }
0x81: {  	s0 =	simm.s32 @!p0 $0x1  }
0x82: {  	_ =	swait.ge @!p0 [sflag:s0], s1  }
0x83: {  	s1 =	ssub.s32 @!p0 $0x0, s1;
	[sflag:s0] =	ssyncset.done @!p0 $0x0  }
0x84: {  	[sflag:s0] =	ssyncadd.s32 @!p0 s1  }
0x85: {  	[bflag:$0x3] =	sbarrier.arrive $0xFFFF  }
0x86: {  	_ =	shalt  }

</sc_bundles>
